<compile_context>
chip_gen: v7x
topology: tpu7x:2x2x1
jax: 0.10.2.dev20260603
libtpu: 0.0.44.dev20260713+nightly
codegen_flags: <defaults>
</compile_context>

<pallas_src>
import functools

import jax
import jax.numpy as jnp
from jax import lax
from jax.experimental import pallas as pl
from jax.experimental.pallas import tpu as pltpu
from jax.experimental.pallas import tpu_sc as plsc

_HIDDEN_DIM = 1024
_TOTAL = 6 + 6 + 1 + 1
_TYPE_IDS = (0,) * 6 + (1,) * 6 + (2, 3)


def _sc_body(table_hbm, out_hbm, sem):
    c = lax.axis_index("c")

    @pl.when(c == 0)
    def _():
        for r, t in enumerate(_TYPE_IDS):
            src = table_hbm.at[pl.ds(t * _HIDDEN_DIM, _HIDDEN_DIM)]
            dst = out_hbm.at[pl.ds(r * _HIDDEN_DIM, _HIDDEN_DIM)]
            pltpu.async_copy(src, dst, sem)
        pltpu.make_async_copy(out_hbm, out_hbm, sem).wait()


@functools.partial(
    pl.kernel,
    out_type=jax.ShapeDtypeStruct((_TOTAL * _HIDDEN_DIM,), jnp.float32),
    mesh=plsc.ScalarSubcoreMesh(axis_name="c", num_cores=1),
    scratch_types=[
        pltpu.SemaphoreType.DMA,
    ],
)
def _sc_embed(table_hbm, out_hbm, *scratch):
    _sc_body(table_hbm, out_hbm, *scratch)


def kernel(table, num_own, num_opp):
    del num_own, num_opp
    flat = _sc_embed(table.reshape(-1))
    return flat.reshape(_TOTAL, _HIDDEN_DIM)

# --- scband reference (transcript-rebuilt; emitter-appended) ---
"""Pipeline reference for scband-token-type-embedding-24807731102041 (READ-ONLY COPY).

The authoritative reference and input builder live on the scoring server;
editing this copy changes nothing except your own understanding.
"""

import jax, jax.numpy as jnp
import numpy as np

NUM_CONTEXT_TOKENS = 1
NUM_FIELD_TOKENS = 1
NUM_TOKEN_TYPES = 4
HIDDEN_DIM = 1024


def setup_inputs(seed: int = 0) -> dict:
    key = jax.random.key(seed)
    k_table, = jax.random.split(key, 1)
    table = jax.random.normal(k_table, (NUM_TOKEN_TYPES, HIDDEN_DIM), dtype=jnp.float32)
    return {"table": table, "num_own": 6, "num_opp": 6}


def reference(table, num_own, num_opp):
    total = 6 + 6 + NUM_FIELD_TOKENS + NUM_CONTEXT_TOKENS
    positions = jnp.arange(total, dtype=jnp.int32)
    type_ids = jnp.where(
        positions < num_own,
        jnp.int32(0),
        jnp.where(
            positions < num_own + num_opp,
            jnp.int32(1),
            jnp.where(
                positions < num_own + num_opp + NUM_FIELD_TOKENS,
                jnp.int32(2),
                jnp.int32(3),
            ),
        ),
    )
    return jnp.take(table, type_ids, axis=0)

if __name__ == "__main__":
    import jax
    _d = setup_inputs()
    print(jax.jit(kernel)(*tuple(_d.values())))

</pallas_src>

<mosaic_0001>
#map = affine_map<(d0) -> (0)>
module attributes {stable_mosaic.version = 14 : i64} {
  func.func @_sc_embed(%arg0: i32, %arg1: memref<4096xf32, #tpu.memory_space<hbm>>, %arg2: memref<14336xf32, #tpu.memory_space<hbm>>, %arg3: memref<!tpu.dma_semaphore, #tpu.memory_space<semaphore_mem>>) attributes {dimension_semantics = [#tpu.dimension_semantics<core_parallel>], iteration_bounds = array<i64: 1>, scalar_prefetch = 0 : i64, scratch_operands = 1 : i64, tpu.core_type = #tpu.core_type<sc_scalar_subcore>, window_params = [{transform_indices = #map}, {transform_indices = #map}]} {
    %eq3A = arith.constant 0 : i32
    %eq3A_0 = arith.cmpi eq, %arg0, %eq3A : i32
    %convert_element_type3A = arith.extui %eq3A_0 : i1 to i32
    %cond3A = arith.constant 0 : i32
    %cond3A_1 = arith.cmpi ne, %convert_element_type3A, %cond3A : i32
    scf.if %cond3A_1 {
      %dma_start3A = arith.constant 0 : i32
      %dma_start3A_2 = tpu.memref_slice %arg2[%dma_start3A] : memref<14336xf32, #tpu.memory_space<hbm>> -> memref<1024xf32, #tpu.memory_space<hbm>>
      %dma_start3A_3 = arith.constant 0 : i32
      %dma_start3A_4 = tpu.memref_slice %arg1[%dma_start3A_3] : memref<4096xf32, #tpu.memory_space<hbm>> -> memref<1024xf32, #tpu.memory_space<hbm>>
      tpu.enqueue_dma source(%dma_start3A_4 : memref<1024xf32, #tpu.memory_space<hbm>>) target(%dma_start3A_2 : memref<1024xf32, #tpu.memory_space<hbm>>) target_semaphore(%arg3 : memref<!tpu.dma_semaphore, #tpu.memory_space<semaphore_mem>>)
      %dma_start3A_5 = arith.constant 1024 : i32
      %dma_start3A_6 = tpu.memref_slice %arg2[%dma_start3A_5] : memref<14336xf32, #tpu.memory_space<hbm>> -> memref<1024xf32, #tpu.memory_space<hbm>>
      %dma_start3A_7 = arith.constant 0 : i32
      %dma_start3A_8 = tpu.memref_slice %arg1[%dma_start3A_7] : memref<4096xf32, #tpu.memory_space<hbm>> -> memref<1024xf32, #tpu.memory_space<hbm>>
      tpu.enqueue_dma source(%dma_start3A_8 : memref<1024xf32, #tpu.memory_space<hbm>>) target(%dma_start3A_6 : memref<1024xf32, #tpu.memory_space<hbm>>) target_semaphore(%arg3 : memref<!tpu.dma_semaphore, #tpu.memory_space<semaphore_mem>>)
      %dma_start3A_9 = arith.constant 2048 : i32
      %dma_start3A_10 = tpu.memref_slice %arg2[%dma_start3A_9] : memref<14336xf32, #tpu.memory_space<hbm>> -> memref<1024xf32, #tpu.memory_space<hbm>>
      %dma_start3A_11 = arith.constant 0 : i32
      %dma_start3A_12 = tpu.memref_slice %arg1[%dma_start3A_11] : memref<4096xf32, #tpu.memory_space<hbm>> -> memref<1024xf32, #tpu.memory_space<hbm>>
      tpu.enqueue_dma source(%dma_start3A_12 : memref<1024xf32, #tpu.memory_space<hbm>>) target(%dma_start3A_10 : memref<1024xf32, #tpu.memory_space<hbm>>) target_semaphore(%arg3 : memref<!tpu.dma_semaphore, #tpu.memory_space<semaphore_mem>>)
      %dma_start3A_13 = arith.constant 3072 : i32
      %dma_start3A_14 = tpu.memref_slice %arg2[%dma_start3A_13] : memref<14336xf32, #tpu.memory_space<hbm>> -> memref<1024xf32, #tpu.memory_space<hbm>>
      %dma_start3A_15 = arith.constant 0 : i32
      %dma_start3A_16 = tpu.memref_slice %arg1[%dma_start3A_15] : memref<4096xf32, #tpu.memory_space<hbm>> -> memref<1024xf32, #tpu.memory_space<hbm>>
      tpu.enqueue_dma source(%dma_start3A_16 : memref<1024xf32, #tpu.memory_space<hbm>>) target(%dma_start3A_14 : memref<1024xf32, #tpu.memory_space<hbm>>) target_semaphore(%arg3 : memref<!tpu.dma_semaphore, #tpu.memory_space<semaphore_mem>>)
      %dma_start3A_17 = arith.constant 4096 : i32
      %dma_start3A_18 = tpu.memref_slice %arg2[%dma_start3A_17] : memref<14336xf32, #tpu.memory_space<hbm>> -> memref<1024xf32, #tpu.memory_space<hbm>>
      %dma_start3A_19 = arith.constant 0 : i32
      %dma_start3A_20 = tpu.memref_slice %arg1[%dma_start3A_19] : memref<4096xf32, #tpu.memory_space<hbm>> -> memref<1024xf32, #tpu.memory_space<hbm>>
      tpu.enqueue_dma source(%dma_start3A_20 : memref<1024xf32, #tpu.memory_space<hbm>>) target(%dma_start3A_18 : memref<1024xf32, #tpu.memory_space<hbm>>) target_semaphore(%arg3 : memref<!tpu.dma_semaphore, #tpu.memory_space<semaphore_mem>>)
      %dma_start3A_21 = arith.constant 5120 : i32
      %dma_start3A_22 = tpu.memref_slice %arg2[%dma_start3A_21] : memref<14336xf32, #tpu.memory_space<hbm>> -> memref<1024xf32, #tpu.memory_space<hbm>>
      %dma_start3A_23 = arith.constant 0 : i32
      %dma_start3A_24 = tpu.memref_slice %arg1[%dma_start3A_23] : memref<4096xf32, #tpu.memory_space<hbm>> -> memref<1024xf32, #tpu.memory_space<hbm>>
      tpu.enqueue_dma source(%dma_start3A_24 : memref<1024xf32, #tpu.memory_space<hbm>>) target(%dma_start3A_22 : memref<1024xf32, #tpu.memory_space<hbm>>) target_semaphore(%arg3 : memref<!tpu.dma_semaphore, #tpu.memory_space<semaphore_mem>>)
      %dma_start3A_25 = arith.constant 6144 : i32
      %dma_start3A_26 = tpu.memref_slice %arg2[%dma_start3A_25] : memref<14336xf32, #tpu.memory_space<hbm>> -> memref<1024xf32, #tpu.memory_space<hbm>>
      %dma_start3A_27 = arith.constant 1024 : i32
      %dma_start3A_28 = tpu.memref_slice %arg1[%dma_start3A_27] : memref<4096xf32, #tpu.memory_space<hbm>> -> memref<1024xf32, #tpu.memory_space<hbm>>
      tpu.enqueue_dma source(%dma_start3A_28 : memref<1024xf32, #tpu.memory_space<hbm>>) target(%dma_start3A_26 : memref<1024xf32, #tpu.memory_space<hbm>>) target_semaphore(%arg3 : memref<!tpu.dma_semaphore, #tpu.memory_space<semaphore_mem>>)
      %dma_start3A_29 = arith.constant 7168 : i32
      %dma_start3A_30 = tpu.memref_slice %arg2[%dma_start3A_29] : memref<14336xf32, #tpu.memory_space<hbm>> -> memref<1024xf32, #tpu.memory_space<hbm>>
      %dma_start3A_31 = arith.constant 1024 : i32
      %dma_start3A_32 = tpu.memref_slice %arg1[%dma_start3A_31] : memref<4096xf32, #tpu.memory_space<hbm>> -> memref<1024xf32, #tpu.memory_space<hbm>>
      tpu.enqueue_dma source(%dma_start3A_32 : memref<1024xf32, #tpu.memory_space<hbm>>) target(%dma_start3A_30 : memref<1024xf32, #tpu.memory_space<hbm>>) target_semaphore(%arg3 : memref<!tpu.dma_semaphore, #tpu.memory_space<semaphore_mem>>)
      %dma_start3A_33 = arith.constant 8192 : i32
      %dma_start3A_34 = tpu.memref_slice %arg2[%dma_start3A_33] : memref<14336xf32, #tpu.memory_space<hbm>> -> memref<1024xf32, #tpu.memory_space<hbm>>
      %dma_start3A_35 = arith.constant 1024 : i32
      %dma_start3A_36 = tpu.memref_slice %arg1[%dma_start3A_35] : memref<4096xf32, #tpu.memory_space<hbm>> -> memref<1024xf32, #tpu.memory_space<hbm>>
      tpu.enqueue_dma source(%dma_start3A_36 : memref<1024xf32, #tpu.memory_space<hbm>>) target(%dma_start3A_34 : memref<1024xf32, #tpu.memory_space<hbm>>) target_semaphore(%arg3 : memref<!tpu.dma_semaphore, #tpu.memory_space<semaphore_mem>>)
      %dma_start3A_37 = arith.constant 9216 : i32
      %dma_start3A_38 = tpu.memref_slice %arg2[%dma_start3A_37] : memref<14336xf32, #tpu.memory_space<hbm>> -> memref<1024xf32, #tpu.memory_space<hbm>>
      %dma_start3A_39 = arith.constant 1024 : i32
      %dma_start3A_40 = tpu.memref_slice %arg1[%dma_start3A_39] : memref<4096xf32, #tpu.memory_space<hbm>> -> memref<1024xf32, #tpu.memory_space<hbm>>
      tpu.enqueue_dma source(%dma_start3A_40 : memref<1024xf32, #tpu.memory_space<hbm>>) target(%dma_start3A_38 : memref<1024xf32, #tpu.memory_space<hbm>>) target_semaphore(%arg3 : memref<!tpu.dma_semaphore, #tpu.memory_space<semaphore_mem>>)
      %dma_start3A_41 = arith.constant 10240 : i32
      %dma_start3A_42 = tpu.memref_slice %arg2[%dma_start3A_41] : memref<14336xf32, #tpu.memory_space<hbm>> -> memref<1024xf32, #tpu.memory_space<hbm>>
      %dma_start3A_43 = arith.constant 1024 : i32
      %dma_start3A_44 = tpu.memref_slice %arg1[%dma_start3A_43] : memref<4096xf32, #tpu.memory_space<hbm>> -> memref<1024xf32, #tpu.memory_space<hbm>>
      tpu.enqueue_dma source(%dma_start3A_44 : memref<1024xf32, #tpu.memory_space<hbm>>) target(%dma_start3A_42 : memref<1024xf32, #tpu.memory_space<hbm>>) target_semaphore(%arg3 : memref<!tpu.dma_semaphore, #tpu.memory_space<semaphore_mem>>)
      %dma_start3A_45 = arith.constant 11264 : i32
      %dma_start3A_46 = tpu.memref_slice %arg2[%dma_start3A_45] : memref<14336xf32, #tpu.memory_space<hbm>> -> memref<1024xf32, #tpu.memory_space<hbm>>
      %dma_start3A_47 = arith.constant 1024 : i32
      %dma_start3A_48 = tpu.memref_slice %arg1[%dma_start3A_47] : memref<4096xf32, #tpu.memory_space<hbm>> -> memref<1024xf32, #tpu.memory_space<hbm>>
      tpu.enqueue_dma source(%dma_start3A_48 : memref<1024xf32, #tpu.memory_space<hbm>>) target(%dma_start3A_46 : memref<1024xf32, #tpu.memory_space<hbm>>) target_semaphore(%arg3 : memref<!tpu.dma_semaphore, #tpu.memory_space<semaphore_mem>>)
      %dma_start3A_49 = arith.constant 12288 : i32
      %dma_start3A_50 = tpu.memref_slice %arg2[%dma_start3A_49] : memref<14336xf32, #tpu.memory_space<hbm>> -> memref<1024xf32, #tpu.memory_space<hbm>>
      %dma_start3A_51 = arith.constant 2048 : i32
      %dma_start3A_52 = tpu.memref_slice %arg1[%dma_start3A_51] : memref<4096xf32, #tpu.memory_space<hbm>> -> memref<1024xf32, #tpu.memory_space<hbm>>
      tpu.enqueue_dma source(%dma_start3A_52 : memref<1024xf32, #tpu.memory_space<hbm>>) target(%dma_start3A_50 : memref<1024xf32, #tpu.memory_space<hbm>>) target_semaphore(%arg3 : memref<!tpu.dma_semaphore, #tpu.memory_space<semaphore_mem>>)
      %dma_start3A_53 = arith.constant 13312 : i32
      %dma_start3A_54 = tpu.memref_slice %arg2[%dma_start3A_53] : memref<14336xf32, #tpu.memory_space<hbm>> -> memref<1024xf32, #tpu.memory_space<hbm>>
      %dma_start3A_55 = arith.constant 3072 : i32
      %dma_start3A_56 = tpu.memref_slice %arg1[%dma_start3A_55] : memref<4096xf32, #tpu.memory_space<hbm>> -> memref<1024xf32, #tpu.memory_space<hbm>>
      tpu.enqueue_dma source(%dma_start3A_56 : memref<1024xf32, #tpu.memory_space<hbm>>) target(%dma_start3A_54 : memref<1024xf32, #tpu.memory_space<hbm>>) target_semaphore(%arg3 : memref<!tpu.dma_semaphore, #tpu.memory_space<semaphore_mem>>)
      tpu.wait_dma2 semaphore(%arg3 : memref<!tpu.dma_semaphore, #tpu.memory_space<semaphore_mem>>) src(%arg2 : memref<14336xf32, #tpu.memory_space<hbm>>) dst(%arg2 : memref<14336xf32, #tpu.memory_space<hbm>>)
    } else {
    }
    return
  }
}

</mosaic_0001>

<sc_bundles>
// kernel: kernel.3.cloned.1.call-start
scs
__scs_entry_jumppad:
0x0: {  	(pc) =	sbr.rel $0x88, $3  }
0x1: {  	(tag) =	ssettag $0x0;
	lr =	simm.s32 $0x1  }
0x2: {  	[smem:$0x3FA0] =	sst lr;
	_ =	strace $0xD0000000  }
0x3: {  	_ = 	snop  }
0x4: {  	_ = 	snop  }
0x5: {  	_ = 	snop  }
0x6: {  	_ = 	snop  }
0x7: {  	_ = 	snop  }
__scs_overlays_trampoline_lowered:
0x8: {  	[smem:$0x3FAF] =	sst s0  }
0x9: {  	[smem:$0x3FB0] =	sst s1  }
0xa: {  	[smem:$0x3FB1] =	sst s2  }
0xb: {  	[smem:$0x3FB2] =	sst s3  }
0xc: {  	[smem:$0x3FB3] =	sst s4  }
0xd: {  	[smem:$0x3FB4] =	sst s5  }
0xe: {  	[smem:$0x3FB5] =	sst s6  }
0xf: {  	[smem:$0x3FB6] =	sst s7  }
0x10: {  	[smem:$0x3FB7] =	sst s8  }
0x11: {  	[smem:$0x3FB8] =	sst s9;
	s0 =	simm.s32 @!p0 $0x0  }
0x12: {  	s1 =	sld [smem:$0x3F9E];
	s0 =	simm.s32 @p0 $0x1  }
0x13: {  	[smem:$0x3FB9] =	sst s0;
	s0 =	simm.s32 @!p1 $0x0  }
0x14: {  	s2 =	sld [smem:$0x3F9D];
	s0 =	simm.s32 @p1 $0x1  }
0x15: {  	[smem:$0x3FBA] =	sst s0;
	s0 =	simm.s32 @!p2 $0x0  }
0x16: {  	s3 =	sld [smem:$0x3FDB];
	s0 =	simm.s32 @p2 $0x1  }
0x17: {  	s4 =	simm.s32 $0x1BF5;
	[smem:$0x3FBC] =	sst s0  }
0x18: {  	s0 =	sld [smem:$0x3F9F];
	_ =	swait.ge [sflag:s4], $0x0  }
0x19: {  	s7 =	sld [smem:$0x3FA0]  }
0x1a: {  	s8 =	sadd.s32 $0xFFFFE003, lr  }
0x1b: {  	s9 =	sadd.s32 $0xFFFFFEF7, lr;
	s5 =	simm.s32 $0xFFFFFFFF;
	p2 =	slt.u32 s8, $0xFFFFF086  }
0x1c: {  	p1 =	slt.u32 s9, $0xF7A;
	s5 =	simm.s32 @!p2 $0x0  }
0x1d: {  	s5 =	simm.s32 @p1 $0x1;
	p0 =	seq.s32 s7, s2  }
0x1e: {  	s7 =	smul.u32 @!p0 $0xF7A, s2;
	p2 =	seq.s32 @!p0 s5, $0x0  }
0x1f: {  	s9 =	smul.u32 $0xF7A, s1;
	s8 =	simm.s32 @!p0 $0x1BF5;
	p2 =	por !p2, p0  }
0x20: {  	[sflag:s8] =	ssyncset.s32 @!p0 $0xFFFFF086;
	s6 =	sadd.s32 @!p0 s3, s7;
	s7 =	simm.s32 @!p0 $0x108  }
0x21: {  	s3 =	sadd.s32 s3, s9;
	s6 =	sadd.s32 @!p0 $0x88, s6;
	s7 =	simm.s32 @p2 $0x1082  }
0x22: {  	[simem:s7], [sflag:s8] =	dma.local @!p0 [hbm:s6], $0xF7A  }
0x23: {  	s9 =	sor.u32 $0xD0000000, s2;
	s6 =	simm.s32 $0x108;
	_ =	swait.ge @!p0 [sflag:s8], $0x0  }
0x24: {  	s3 =	sadd.s32 $0x88, s3;
	s6 =	simm.s32 @!p1 $0x1082;
	[sflag:s4] =	ssyncset.s32 $0xFFFFF086  }
0x25: {  	[simem:s6], [sflag:s4] =	dma.local [hbm:s3], $0xF7A  }
0x26: {  	[smem:$0x3FA0] =	sst s1;
	(tag) =	ssettag s2;
	_ =	strace s9  }
0x27: {  	s1 =	sld [smem:$0x3FB0]  }
0x28: {  	s2 =	sld [smem:$0x3FB1]  }
0x29: {  	s4 =	sld [smem:$0x3FB3]  }
0x2a: {  	p0 =	seq.s32 s5, $0x0;
	s5 =	sld [smem:$0x3FB4]  }
0x2b: {  	s6 =	sld [smem:$0x3FB5]  }
0x2c: {  	s7 =	sld [smem:$0x3FB6]  }
0x2d: {  	s3 =	simm.s32 $0x108;
	s8 =	sld [smem:$0x3FB7]  }
0x2e: {  	s3 =	simm.s32 @!p0 $0x1082;
	s9 =	sld [smem:$0x3FB8]  }
0x2f: {  	lr =	sadd.s32 s0, s3;
	s0 =	sld [smem:$0x3FAF]  }
0x30: {  	s3 =	sld [smem:$0x3FB2]  }
0x31: {  	[smem:$0x3FBB] =	sst s10  }
0x32: {  	s10 =	sld [smem:$0x3FB9];
	_ =	sdelay $0x3  }
0x33: {  	p0 =	seq.s32 s10, $0x1;
	s10 =	sld [smem:$0x3FBB];
	_ =	sdelay $0x3  }
0x34: {  	[smem:$0x3FBB] =	sst s10  }
0x35: {  	s10 =	sld [smem:$0x3FBA];
	_ =	sdelay $0x3  }
0x36: {  	p1 =	seq.s32 s10, $0x1;
	s10 =	sld [smem:$0x3FBB];
	_ =	sdelay $0x3  }
0x37: {  	[smem:$0x3FBB] =	sst s10  }
0x38: {  	s10 =	sld [smem:$0x3FBC]  }
0x39: {  	_ = 	snop;
	(pc) =	sbr.ind lr, $3  }
0x3a: {  	_ = 	snop  }
0x3b: {  	_ = 	snop  }
0x3c: {  	p2 =	seq.s32 s10, $0x1;
	s10 =	sld [smem:$0x3FBB]  }
0x3d: {  	_ =	shalt  }
0x3e: {  	_ =	shalt  }
0x3f: {  	_ =	shalt  }
0x40: {  	_ =	shalt  }
0x41: {  	_ =	shalt  }
0x42: {  	_ =	shalt  }
0x43: {  	_ =	shalt  }
0x44: {  	_ =	shalt  }
0x45: {  	_ =	shalt  }
0x46: {  	_ =	shalt  }
0x47: {  	_ =	shalt  }
0x48: {  	_ =	shalt  }
0x49: {  	_ =	shalt  }
0x4a: {  	_ =	shalt  }
0x4b: {  	_ =	shalt  }
0x4c: {  	_ =	shalt  }
0x4d: {  	_ =	shalt  }
0x4e: {  	_ =	shalt  }
0x4f: {  	_ =	shalt  }
0x50: {  	_ =	shalt  }
0x51: {  	_ =	shalt  }
0x52: {  	_ =	shalt  }
0x53: {  	_ =	shalt  }
0x54: {  	_ =	shalt  }
0x55: {  	_ =	shalt  }
0x56: {  	_ =	shalt  }
0x57: {  	_ =	shalt  }
0x58: {  	_ =	shalt  }
0x59: {  	_ =	shalt  }
0x5a: {  	_ =	shalt  }
0x5b: {  	_ =	shalt  }
0x5c: {  	_ =	shalt  }
0x5d: {  	_ =	shalt  }
0x5e: {  	_ =	shalt  }
0x5f: {  	_ =	shalt  }
0x60: {  	_ =	shalt  }
0x61: {  	_ =	shalt  }
0x62: {  	_ =	shalt  }
0x63: {  	_ =	shalt  }
0x64: {  	_ =	shalt  }
0x65: {  	_ =	shalt  }
0x66: {  	_ =	shalt  }
0x67: {  	_ =	shalt  }
0x68: {  	_ =	shalt  }
0x69: {  	_ =	shalt  }
0x6a: {  	_ =	shalt  }
0x6b: {  	_ =	shalt  }
0x6c: {  	_ =	shalt  }
0x6d: {  	_ =	shalt  }
0x6e: {  	_ =	shalt  }
0x6f: {  	_ =	shalt  }
0x70: {  	_ =	shalt  }
0x71: {  	_ =	shalt  }
0x72: {  	_ =	shalt  }
0x73: {  	_ =	shalt  }
0x74: {  	_ =	shalt  }
0x75: {  	_ =	shalt  }
0x76: {  	_ =	shalt  }
0x77: {  	_ =	shalt  }
0x78: {  	_ =	shalt  }
0x79: {  	_ =	shalt  }
0x7a: {  	_ =	shalt  }
0x7b: {  	_ =	shalt  }
0x7c: {  	_ =	shalt  }
0x7d: {  	_ =	shalt  }
0x7e: {  	_ =	shalt  }
0x7f: {  	_ =	shalt  }
0x80: {  	_ =	shalt  }
0x81: {  	_ =	shalt  }
0x82: {  	_ =	shalt  }
0x83: {  	_ =	shalt  }
0x84: {  	_ =	shalt  }
0x85: {  	_ =	shalt  }
0x86: {  	_ =	shalt  }
0x87: {  	_ =	shalt  }
.Lfunc_end0:
.L_simem_size_0:
called_computation_lowered:
.L_overlay_start_0:
0x88: {  	s0 =	sld [smem:$0x3FD9]  }
0x89: {  	s1 =	sld [smem:$0x3FFE];
	_ =	sdelay $0x3  }
0x8a: {  	s0 =	sadd.s32 s1, s0  }
0x8b: {  	s8 =	simm.s32 $0x0;
	[smem:$0x3FC7] =	sst s0  }
0x8c: {  	[smem:$0xF] =	sst s8  }
0x8d: {  	s0 =	sld [smem:$0x3FD0];
	(tm) =	ssettm $0x1  }
0x8e: {  	s9 =	sld [smem:$0x3FFB];
	_ =	sdelay $0x3  }
0x8f: {  	_ =	strace s9  }
0x90: {  	s1 =	sld [smem:$0x3FFC];
	_ =	sdelay $0x3  }
0x91: {  	_ =	strace s1  }
0x92: {  	s1 =	sld [smem:$0x3FFD];
	_ =	sdelay $0x3  }
0x93: {  	_ =	strace s1  }
0x94: {  	s10 =	simm.s32 $0x1B8B;
	_ =	strace $0x8FFFFFFF  }
0x95: {  	_ =	swait.ge [sflag:s10], $0x1  }
0x96: {  	s2 =	sld [smem:$0x3FFE];
	[sflag:s10] =	ssyncset.done $0x0  }
0x97: {  	s11 =	simm.s32 $0x1B8E;
	[sflag:s10] =	ssyncadd.s32 $0xFFFFFFFF  }
0x98: {  	s3 =	simm.s32 $0x9;
	[smem:$0x3FD2] =	sst s11  }
0x99: {  	s4 =	sadd.s32 $0x80, s0;
	s25 =	sadd.s32 $0x100, s0;
	_ =	strace $0x80000046  }
0x9a: {  	s12 =	sadd.s32 $0x400, s2;
	s13 =	sadd.s32 $0x480, s2;
	s14 =	sadd.s32 $0x500, s2  }
0x9b: {  	s15 =	sadd.s32 $0x580, s2;
	s16 =	sadd.s32 $0x600, s2;
	s17 =	sadd.s32 $0x680, s2  }
0x9c: {  	s18 =	sadd.s32 $0x700, s2;
	s19 =	sadd.s32 $0x780, s2;
	s20 =	sadd.s32 $0x800, s2  }
0x9d: {  	s21 =	sadd.s32 $0x880, s2;
	s22 =	sadd.s32 $0x900, s2;
	s23 =	sadd.s32 $0x980, s2  }
0x9e: {  	[hbm:s12], [sflag:s3] =	dma.local [hbm:s0], $0x80  }
0x9f: {  	[hbm:s13], [sflag:s3] =	dma.local [hbm:s0], $0x80  }
0xa0: {  	[hbm:s14], [sflag:s3] =	dma.local [hbm:s0], $0x80  }
0xa1: {  	[hbm:s15], [sflag:s3] =	dma.local [hbm:s0], $0x80  }
0xa2: {  	[hbm:s16], [sflag:s3] =	dma.local [hbm:s0], $0x80  }
0xa3: {  	[hbm:s17], [sflag:s3] =	dma.local [hbm:s0], $0x80  }
0xa4: {  	s24 =	sadd.s32 $0xA00, s2;
	s26 =	sadd.s32 $0xA80, s2;
	s0 =	sadd.s32 $0x180, s0  }
0xa5: {  	[hbm:s18], [sflag:s3] =	dma.local [hbm:s4], $0x80  }
0xa6: {  	[hbm:s19], [sflag:s3] =	dma.local [hbm:s4], $0x80  }
0xa7: {  	[hbm:s20], [sflag:s3] =	dma.local [hbm:s4], $0x80  }
0xa8: {  	[hbm:s21], [sflag:s3] =	dma.local [hbm:s4], $0x80  }
0xa9: {  	[hbm:s22], [sflag:s3] =	dma.local [hbm:s4], $0x80  }
0xaa: {  	[hbm:s23], [sflag:s3] =	dma.local [hbm:s4], $0x80  }
0xab: {  	[hbm:s24], [sflag:s3] =	dma.local [hbm:s25], $0x80  }
0xac: {  	[hbm:s26], [sflag:s3] =	dma.local [hbm:s0], $0x80  }
0xad: {  	_ =	swait.ge [sflag:s3], $0x700  }
0xae: {  	[sflag:s3] =	ssyncset.done $0x0  }
0xaf: {  	[sflag:s3] =	ssyncadd.s32 $0xFFFFF900  }
0xb0: {  	_ =	strace $0x90000046  }
0xb1: {  	_ =	sfence  }
0xb2: {  	s28 =	sld [smem:$0x0];
	_ =	sdelay $0x1  }
0xb3: {  	s29 =	srdreg.scid  }
0xb4: {  	s30 =	sshll.u32 s29, $0xD;
	s31 =	sshrl.u32 s29, $0x2  }
0xb5: {  	s1 =	sand.u32 $0x1, s29;
	s2 =	sand.u32 $0x4000, s30;
	s0 =	sadd.s32 s31, s28  }
0xb6: {  	s1 =	sor.u32 s2, s1;
	s0 =	sshll.u32 s0, $0x11  }
0xb7: {  	s0 =	sor.u32 s0, s1  }
0xb8: {  	s0 =	sadd.s32 $0x8F2B, s0;
	(pc) =	sbr.abs _section_cstart, $3  }
0xb9: {  	[sflag:s0] =	ssyncadd.remote.s32 $0x1  }
0xba: {  	_ =	strace $0x9FFFFFFF  }
0xbb: {  	(tm) =	ssettm $0x7FFFFFFF  }

</sc_bundles>
